<compile_context>
chip_gen: v7x
topology: tpu7x:2x2x1
jax: 0.10.2.dev20260603
libtpu: 0.0.44.dev20260713+nightly
codegen_flags: <defaults>
</compile_context>

<pallas_src>
import jax
import jax.numpy as jnp
from jax import lax
from jax.experimental import pallas as pl
from jax.experimental.pallas import tpu as pltpu
from jax.experimental.pallas import tpu_sc as plsc

_NUM_CLASSES = 1000
_NCPAD = 1008
_ALPHA = 0.2
_B = 256
_R = 8


_BS = 4704


def _blend_body(lam_ref, x_ref, g_ref, o_ref):
    lam = lam_ref[0]
    x = x_ref[...]
    g = g_ref[...]
    lo = x[:, :128]
    hi = x[:, 128:]
    dn = (((1,), (0,)), ((), ()))
    fl = jax.lax.dot_general(hi, g, dn, preferred_element_type=jnp.float32)
    fh = jax.lax.dot_general(lo, g, dn, preferred_element_type=jnp.float32)
    o_ref[...] = x * lam + jnp.concatenate([fl, fh], axis=1) * (1.0 - lam)


def _blend2(x2d, lam1, g, interpret=False):
    rows = x2d.shape[0]
    nblk = rows // _BS
    return pl.pallas_call(
        _blend_body,
        grid=(nblk,),
        in_specs=[
            pl.BlockSpec(memory_space=pltpu.SMEM),
            pl.BlockSpec((_BS, _B), lambda i: (i, 0)),
            pl.BlockSpec((128, 128), lambda i: (0, 0)),
        ],
        out_specs=pl.BlockSpec((_BS, _B), lambda i: (i, 0)),
        out_shape=jax.ShapeDtypeStruct(x2d.shape, jnp.float32),
        interpret=interpret,
    )(lam1, x2d, g)


_NC, _NS = 2, 16
_NW = _NC * _NS
_RW = _B // _NW


def _targets_body(t_hbm, lam_hbm, out_hbm, tv, lamv, buf):
    wid = lax.axis_index("s") * _NC + lax.axis_index("c")
    base = _RW * wid
    pltpu.sync_copy(t_hbm, tv)
    pltpu.sync_copy(lam_hbm, lamv)
    lam = lamv[...]
    zero = jnp.zeros((16,), jnp.float32)

    def _zero_row(r, _):
        def _zero_col(c, _):
            buf[r, pl.ds(pl.multiple_of(c * 16, 16), 16)] = zero
            return 0
        return lax.fori_loop(0, _NCPAD // 16, _zero_col, 0)

    lax.fori_loop(0, _RW, _zero_row, 0)

    lane = lax.broadcasted_iota(jnp.int32, (16,), 0)
    lo = lane < _RW
    pos = jnp.where(lo, base + lane, (_B - 1 + _RW) - base - lane)
    tvals = plsc.load_gather(tv, [pos])
    row = jnp.where(lo, lane, lane - _RW)
    plsc.store_scatter(buf, [row, tvals], lam, mask=lo)
    plsc.addupdate_scatter(buf, [row, tvals], 1.0 - lam, mask=jnp.logical_not(lo))
    pltpu.sync_copy(buf, out_hbm.at[pl.ds(base, _RW)])


_SC_CACHE = {}


def _sc_targets():
    if "k" not in _SC_CACHE:
        _SC_CACHE["k"] = pl.kernel(
            _targets_body,
            out_type=jax.ShapeDtypeStruct((_B, _NCPAD), jnp.float32),
            mesh=plsc.VectorSubcoreMesh(core_axis_name="c", subcore_axis_name="s"),
            scratch_types=[
                pltpu.VMEM((_B,), jnp.int32),
                pltpu.VMEM((16,), jnp.float32),
                pltpu.VMEM((_RW, _NCPAD), jnp.float32),
            ],
            compiler_params=pltpu.CompilerParams(needs_layout_passes=False),
        )
    return _SC_CACHE["k"]


def kernel(inputs, targets):
    lam = jax.random.beta(jax.random.key(42), _ALPHA, _ALPHA).astype(jnp.float32)
    c, h, w = inputs.shape[1:]
    x2d = jnp.transpose(inputs, (1, 2, 3, 0)).reshape(-1, _B)
    g = (
        jax.lax.broadcasted_iota(jnp.int32, (128, 128), 0)
        + jax.lax.broadcasted_iota(jnp.int32, (128, 128), 1)
        == 127
    ).astype(jnp.bfloat16)
    out2d = _blend2(x2d, lam.reshape(1), g)
    mixed = jnp.transpose(out2d.reshape(c, h, w, _B), (3, 0, 1, 2))
    mixed_targets = _sc_targets()(
        targets.astype(jnp.int32), jnp.full((16,), lam, jnp.float32)
    )
    return mixed, mixed_targets[:, :_NUM_CLASSES]

# --- scband reference (transcript-rebuilt; emitter-appended) ---
"""Pipeline reference for scband-mixup-44822278701081 (READ-ONLY COPY).

The authoritative reference and input builder live on the scoring server;
editing this copy changes nothing except your own understanding.
"""

import jax, jax.numpy as jnp
import numpy as np

NUM_CLASSES = 1000
ALPHA = 0.2

def setup_inputs(seed: int = 0) -> dict:
    key = jax.random.key(seed)
    k1, k2 = jax.random.split(key)
    inputs = jax.random.normal(k1, (256, 3, 224, 224), dtype=jnp.float32)
    targets = jax.random.randint(k2, (256,), 0, NUM_CLASSES, dtype=jnp.int64 if jax.config.jax_enable_x64 else jnp.int32)
    return {"inputs": inputs, "targets": targets}

def _one_hot_scatter(y, num_classes):
    y = y.reshape(-1)
    B = y.shape[0]
    empty = jnp.zeros((B, num_classes), dtype=jnp.float32)
    return empty.at[jnp.arange(B), y].set(1.0)

def reference(inputs, targets):
    # lam ~ Beta(alpha, alpha); deterministic key stands in for torch Beta sample
    lam = jax.random.beta(jax.random.key(42), ALPHA, ALPHA).astype(inputs.dtype)
    t1h = _one_hot_scatter(targets, NUM_CLASSES)
    inputs_flipped = jnp.flip(inputs, axis=0) * (1.0 - lam)
    targets_flipped = jnp.flip(t1h, axis=0) * (1.0 - lam)
    mixed_inputs = inputs * lam + inputs_flipped
    mixed_targets = t1h * lam + targets_flipped
    return (mixed_inputs, mixed_targets)

if __name__ == "__main__":
    import jax
    _d = setup_inputs()
    print(jax.jit(kernel)(*tuple(_d.values())))

</pallas_src>

<mosaic_0001>
#map = affine_map<(d0, d1) -> (0)>
#map1 = affine_map<(d0, d1) -> (0, 0)>
module attributes {stable_mosaic.version = 14 : i64} {
  func.func @_targets_body(%arg0: i32, %arg1: i32, %arg2: memref<256xi32, #tpu.memory_space<hbm>>, %arg3: memref<16xf32, #tpu.memory_space<hbm>>, %arg4: memref<256x1008xf32, #tpu.memory_space<hbm>>, %arg5: memref<256xi32, #tpu.memory_space<vmem>>, %arg6: memref<16xf32, #tpu.memory_space<vmem>>, %arg7: memref<8x1008xf32, #tpu.memory_space<vmem>>) attributes {dimension_semantics = [#tpu.dimension_semantics<core_parallel>, #tpu.dimension_semantics<subcore_parallel>], iteration_bounds = array<i64: 2, 16>, scalar_prefetch = 0 : i64, scratch_operands = 3 : i64, tpu.core_type = #tpu.core_type<sc_vector_subcore>, window_params = [{transform_indices = #map}, {transform_indices = #map}, {transform_indices = #map1}]} {
    %mul3A = arith.constant 2 : i32
    %mul3A_0 = arith.muli %arg1, %mul3A : i32
    %add3A = arith.addi %mul3A_0, %arg0 : i32
    %mul3A_1 = arith.constant 8 : i32
    %mul3A_2 = arith.muli %mul3A_1, %add3A : i32
    "tpu.region"() ({
      %run_scoped3A = tpu.sem_alloc : memref<!tpu.dma_semaphore, #tpu.memory_space<semaphore_mem>>
      tpu.enqueue_dma source(%arg2 : memref<256xi32, #tpu.memory_space<hbm>>) target(%arg5 : memref<256xi32, #tpu.memory_space<vmem>>) target_semaphore(%run_scoped3A : memref<!tpu.dma_semaphore, #tpu.memory_space<semaphore_mem>>)
      tpu.wait_dma2 semaphore(%run_scoped3A : memref<!tpu.dma_semaphore, #tpu.memory_space<semaphore_mem>>) src(%arg2 : memref<256xi32, #tpu.memory_space<hbm>>) dst(%arg5 : memref<256xi32, #tpu.memory_space<vmem>>)
      tpu.yield
    }) : () -> ()
    "tpu.region"() ({
      %run_scoped3A = tpu.sem_alloc : memref<!tpu.dma_semaphore, #tpu.memory_space<semaphore_mem>>
      tpu.enqueue_dma source(%arg3 : memref<16xf32, #tpu.memory_space<hbm>>) target(%arg6 : memref<16xf32, #tpu.memory_space<vmem>>) target_semaphore(%run_scoped3A : memref<!tpu.dma_semaphore, #tpu.memory_space<semaphore_mem>>)
      tpu.wait_dma2 semaphore(%run_scoped3A : memref<!tpu.dma_semaphore, #tpu.memory_space<semaphore_mem>>) src(%arg3 : memref<16xf32, #tpu.memory_space<hbm>>) dst(%arg6 : memref<16xf32, #tpu.memory_space<vmem>>)
      tpu.yield
    }) : () -> ()
    %get3A = arith.constant 0 : index
    %get3A_3 = tpu.vector_load %arg6[%get3A] {strides = array<i32>} : memref<16xf32, #tpu.memory_space<vmem>>, vector<16xf32>,
    %broadcast_in_dim3A = arith.constant 0.000000e+00 : f32
    %broadcast_in_dim3A_4 = vector.broadcast %broadcast_in_dim3A : f32 to vector<16xf32>
    %scan3A = arith.constant 0 : i32
    %scan3A_5 = arith.constant 0 : i32
    %scan3A_6 = arith.constant 8 : i32
    %scan3A_7 = arith.addi %scan3A_5, %scan3A_6 : i32
    %scan3A_8 = arith.constant 1 : i32
    %scan3A_9 = scf.for %scan3A_26 = %scan3A_5 to %scan3A_7 step %scan3A_8 iter_args(%scan3A_27 = %scan3A) -> (i32)  : i32 {
      %scan3A_28 = arith.constant 0 : i32
      %scan3A_29 = arith.constant 0 : i32
      %scan3A_30 = arith.constant 63 : i32
      %scan3A_31 = arith.addi %scan3A_29, %scan3A_30 : i32
      %scan3A_32 = arith.constant 1 : i32
      %scan3A_33 = scf.for %scan3A_35 = %scan3A_29 to %scan3A_31 step %scan3A_32 iter_args(%scan3A_36 = %scan3A_28) -> (i32)  : i32 {
        %mul3A_37 = arith.constant 16 : i32
        %mul3A_38 = arith.muli %scan3A_35, %mul3A_37 : i32
        %multiple_of3A = tpu.assume_multiple %mul3A_38, 16 : i32
        %swap3A = arith.index_cast %scan3A_26 : i32 to index
        %swap3A_39 = arith.index_cast %multiple_of3A : i32 to index
        %swap3A_40 = tpu.vector_load %arg7[%swap3A, %swap3A_39] {strides = array<i32>} : memref<8x1008xf32, #tpu.memory_space<vmem>>, vector<16xf32>,
        tpu.vector_store %arg7[%swap3A, %swap3A_39], %broadcast_in_dim3A_4 {strides = array<i32>} : memref<8x1008xf32, #tpu.memory_space<vmem>>, vector<16xf32>,
        %scan3A_41 = arith.constant 0 : i32
        scf.yield %scan3A_41 : i32
      }
      %scan3A_34 = arith.constant 63 : i32
      scf.yield %scan3A_33 : i32
    }
    %scan3A_10 = arith.constant 8 : i32
    %iota3A = tpu.iota {dimensions = array<i32: 0>} : vector<16xi32>
    %lt3A = arith.constant 8 : i32
    %lt3A_11 = vector.broadcast %lt3A : i32 to vector<16xi32>
    %lt3A_12 = arith.cmpi slt, %iota3A, %lt3A_11 : vector<16xi32>
    %add3A_13 = vector.broadcast %mul3A_2 : i32 to vector<16xi32>
    %add3A_14 = arith.addi %add3A_13, %iota3A : vector<16xi32>
    %sub3A = arith.constant 263 : i32
    %sub3A_15 = arith.subi %sub3A, %mul3A_2 : i32
    %sub3A_16 = vector.broadcast %sub3A_15 : i32 to vector<16xi32>
    %sub3A_17 = arith.subi %sub3A_16, %iota3A : vector<16xi32>
    %select_n3A = arith.select %lt3A_12, %add3A_14, %sub3A_17 : vector<16xi1>, vector<16xi32>
    %gather3A = tpu.vector_load_idx %arg5[%select_n3A] : memref<256xi32, #tpu.memory_space<vmem>>[vector<16xi32>], vector<16xi32>,
    %sub3A_18 = arith.constant 8 : i32
    %sub3A_19 = vector.broadcast %sub3A_18 : i32 to vector<16xi32>
    %sub3A_20 = arith.subi %iota3A, %sub3A_19 : vector<16xi32>
    %select_n3A_21 = arith.select %lt3A_12, %iota3A, %sub3A_20 : vector<16xi1>, vector<16xi32>
    tpu.vector_store_idx %arg7[%select_n3A_21, %gather3A], %get3A_3 masked %lt3A_12 : memref<8x1008xf32, #tpu.memory_space<vmem>>[vector<16xi32>, vector<16xi32>], vector<16xf32>, vector<16xi1>
    %sub3A_22 = arith.constant 1.000000e+00 : f32
    %sub3A_23 = vector.broadcast %sub3A_22 : f32 to vector<16xf32>
    %sub3A_24 = arith.subf %sub3A_23, %get3A_3 : vector<16xf32>
    %not3A = arith.constant dense<true> : vector<16xi1>
    %not3A_25 = arith.xori %lt3A_12, %not3A : vector<16xi1>
    tpu.vector_store_idx %arg7[%select_n3A_21, %gather3A], %sub3A_24 masked %not3A_25 {add = true} : memref<8x1008xf32, #tpu.memory_space<vmem>>[vector<16xi32>, vector<16xi32>], vector<16xf32>, vector<16xi1>
    "tpu.region"() ({
      %run_scoped3A = tpu.sem_alloc : memref<!tpu.dma_semaphore, #tpu.memory_space<semaphore_mem>>
      %dma_start3A = arith.constant 0 : i32
      %dma_start3A_26 = tpu.memref_slice %arg4[%mul3A_2, %dma_start3A] : memref<256x1008xf32, #tpu.memory_space<hbm>> -> memref<8x1008xf32, #tpu.memory_space<hbm>>
      %dma_start3A_27 = arith.constant 0 : i32
      %dma_start3A_28 = tpu.memref_slice %arg4[%mul3A_2, %dma_start3A_27] : memref<256x1008xf32, #tpu.memory_space<hbm>> -> memref<8x1008xf32, #tpu.memory_space<hbm>>
      tpu.enqueue_dma source(%arg7 : memref<8x1008xf32, #tpu.memory_space<vmem>>) target(%dma_start3A_28 : memref<8x1008xf32, #tpu.memory_space<hbm>>) target_semaphore(%run_scoped3A : memref<!tpu.dma_semaphore, #tpu.memory_space<semaphore_mem>>)
      %dma_wait3A = arith.constant 0 : i32
      %dma_wait3A_29 = tpu.memref_slice %arg4[%mul3A_2, %dma_wait3A] : memref<256x1008xf32, #tpu.memory_space<hbm>> -> memref<8x1008xf32, #tpu.memory_space<hbm>>
      %dma_wait3A_30 = arith.constant 0 : i32
      %dma_wait3A_31 = tpu.memref_slice %arg4[%mul3A_2, %dma_wait3A_30] : memref<256x1008xf32, #tpu.memory_space<hbm>> -> memref<8x1008xf32, #tpu.memory_space<hbm>>
      tpu.wait_dma2 semaphore(%run_scoped3A : memref<!tpu.dma_semaphore, #tpu.memory_space<semaphore_mem>>) src(%arg7 : memref<8x1008xf32, #tpu.memory_space<vmem>>) dst(%dma_wait3A_31 : memref<8x1008xf32, #tpu.memory_space<hbm>>)
      tpu.yield
    }) : () -> ()
    return
  }
}

module attributes {stable_mosaic.version = 14 : i64} {
  func.func @_blend_body(%arg0: i32, %arg1: memref<1xf32, #tpu.memory_space<smem>>, %arg2: memref<4704x256xf32, #tpu.memory_space<vmem>>, %arg3: memref<128x128xbf16, #tpu.memory_space<vmem>>, %arg4: memref<4704x256xf32, #tpu.memory_space<vmem>>) attributes {dimension_semantics = [#tpu.dimension_semantics<arbitrary>], iteration_bounds = array<i64: 32>, scalar_prefetch = 0 : i64, scratch_operands = 0 : i64, tpu.core_type = #tpu.core_type<tc>, window_params = [{transform_indices = @transform_0, window_bounds = array<i64: 1>}, {transform_indices = @transform_1, window_bounds = array<i64: 4704, 256>}, {pipeline_mode = #tpu.pipeline_mode<synchronous>, transform_indices = @transform_2, window_bounds = array<i64: 128, 128>}, {transform_indices = @transform_3, window_bounds = array<i64: 4704, 256>}]} {
    %get3A = arith.constant 0 : index
    %get3A_0 = memref.load %arg1[%get3A] : memref<1xf32, #tpu.memory_space<smem>>
    %get3A_1 = arith.constant 0 : index
    %get3A_2 = arith.constant 0 : index
    %get3A_3 = vector.load %arg2[%get3A_1, %get3A_2] : memref<4704x256xf32, #tpu.memory_space<vmem>>, vector<4704x256xf32>
    %get3A_4 = arith.constant 0 : index
    %get3A_5 = arith.constant 0 : index
    %get3A_6 = vector.load %arg3[%get3A_4, %get3A_5] : memref<128x128xbf16, #tpu.memory_space<vmem>>, vector<128x128xbf16>
    %slice3A = vector.extract_strided_slice %get3A_3 {offsets = [0, 0], sizes = [4704, 128], strides = [1, 1]} : vector<4704x256xf32> to vector<4704x128xf32>
    %slice3A_7 = vector.extract_strided_slice %get3A_3 {offsets = [0, 128], sizes = [4704, 128], strides = [1, 1]} : vector<4704x256xf32> to vector<4704x128xf32>
    %dot_general3A = arith.constant dense<0.000000e+00> : vector<4704x128xf32>
    %dot_general3A_8 = tpu.matmul %slice3A_7, %get3A_6, %dot_general3A {dimension_numbers = #tpu.dot_dimension_numbers<[1], [0], [0], [1], [0, 0, 1, 1], [], []>, transpose_lhs_hint = false} : vector<4704x128xf32>, vector<128x128xbf16>, vector<4704x128xf32> -> vector<4704x128xf32>
    %dot_general3A_9 = arith.constant dense<0.000000e+00> : vector<4704x128xf32>
    %dot_general3A_10 = tpu.matmul %slice3A, %get3A_6, %dot_general3A_9 {dimension_numbers = #tpu.dot_dimension_numbers<[1], [0], [0], [1], [0, 0, 1, 1], [], []>, transpose_lhs_hint = false} : vector<4704x128xf32>, vector<128x128xbf16>, vector<4704x128xf32> -> vector<4704x128xf32>
    %mul3A = vector.broadcast %get3A_0 : f32 to vector<4704x256xf32>
    %mul3A_11 = arith.mulf %get3A_3, %mul3A : vector<4704x256xf32>
    %concatenate3A = tpu.concatenate %dot_general3A_8, %dot_general3A_10 in 1 : vector<4704x128xf32>, vector<4704x128xf32> -> vector<4704x256xf32>
    %sub3A = arith.constant 1.000000e+00 : f32
    %sub3A_12 = arith.subf %sub3A, %get3A_0 : f32
    %mul3A_13 = vector.broadcast %sub3A_12 : f32 to vector<4704x256xf32>
    %mul3A_14 = arith.mulf %concatenate3A, %mul3A_13 : vector<4704x256xf32>
    %add3A = arith.addf %mul3A_11, %mul3A_14 : vector<4704x256xf32>
    %swap3A = arith.constant 0 : index
    %swap3A_15 = arith.constant 0 : index
    %swap3A_16 = vector.load %arg4[%swap3A, %swap3A_15] : memref<4704x256xf32, #tpu.memory_space<vmem>>, vector<4704x256xf32>
    tpu.vector_store %arg4[%swap3A, %swap3A_15], %add3A {strides = array<i32>} : memref<4704x256xf32, #tpu.memory_space<vmem>>, vector<4704x256xf32>,
    return
  }
  func.func @transform_0(%arg0: i32) -> i32 {
    %c0_i32 = arith.constant 0 : i32
    %c0_i32_0 = arith.constant 0 : i32
    return %c0_i32 : i32
  }
  func.func @transform_1(%arg0: i32) -> (i32, i32) {
    %c0_i32 = arith.constant 0 : i32
    %c0_i32_0 = arith.constant 0 : i32
    return %arg0, %c0_i32 : i32, i32
  }
  func.func @transform_2(%arg0: i32) -> (i32, i32) {
    %c0_i32 = arith.constant 0 : i32
    %c0_i32_0 = arith.constant 0 : i32
    %c0_i32_1 = arith.constant 0 : i32
    return %c0_i32, %c0_i32_0 : i32, i32
  }
  func.func @transform_3(%arg0: i32) -> (i32, i32) {
    %c0_i32 = arith.constant 0 : i32
    %c0_i32_0 = arith.constant 0 : i32
    return %arg0, %c0_i32 : i32, i32
  }
}

</mosaic_0001>

<sc_bundles>
// kernel: kernel.4.cloned.1.call-start
scs
__scs_entry_jumppad:
0x0: {  	(pc) =	sbr.rel $0x88, $3  }
0x1: {  	(tag) =	ssettag $0x0;
	lr =	simm.s32 $0x1  }
0x2: {  	[smem:$0x3F9F] =	sst lr;
	_ =	strace $0xD0000000  }
0x3: {  	_ = 	snop  }
0x4: {  	_ = 	snop  }
0x5: {  	_ = 	snop  }
0x6: {  	_ = 	snop  }
0x7: {  	_ = 	snop  }
__scs_overlays_trampoline_lowered:
0x8: {  	[smem:$0x3FAE] =	sst s0  }
0x9: {  	[smem:$0x3FAF] =	sst s1  }
0xa: {  	[smem:$0x3FB0] =	sst s2  }
0xb: {  	[smem:$0x3FB1] =	sst s3  }
0xc: {  	[smem:$0x3FB2] =	sst s4  }
0xd: {  	[smem:$0x3FB3] =	sst s5  }
0xe: {  	[smem:$0x3FB4] =	sst s6  }
0xf: {  	[smem:$0x3FB5] =	sst s7  }
0x10: {  	[smem:$0x3FB6] =	sst s8  }
0x11: {  	[smem:$0x3FB7] =	sst s9;
	s0 =	simm.s32 @!p0 $0x0  }
0x12: {  	s1 =	sld [smem:$0x3F9D];
	s0 =	simm.s32 @p0 $0x1  }
0x13: {  	[smem:$0x3FB8] =	sst s0;
	s0 =	simm.s32 @!p1 $0x0  }
0x14: {  	s2 =	sld [smem:$0x3F9C];
	s0 =	simm.s32 @p1 $0x1  }
0x15: {  	[smem:$0x3FB9] =	sst s0;
	s0 =	simm.s32 @!p2 $0x0  }
0x16: {  	s3 =	sld [smem:$0x3FDB];
	s0 =	simm.s32 @p2 $0x1  }
0x17: {  	s4 =	simm.s32 $0x1BF5;
	[smem:$0x3FBB] =	sst s0  }
0x18: {  	s0 =	sld [smem:$0x3F9E];
	_ =	swait.ge [sflag:s4], $0x0  }
0x19: {  	s7 =	sld [smem:$0x3F9F]  }
0x1a: {  	s8 =	sadd.s32 $0xFFFFE003, lr  }
0x1b: {  	s9 =	sadd.s32 $0xFFFFFEF7, lr;
	s5 =	simm.s32 $0xFFFFFFFF;
	p2 =	slt.u32 s8, $0xFFFFF086  }
0x1c: {  	p1 =	slt.u32 s9, $0xF7A;
	s5 =	simm.s32 @!p2 $0x0  }
0x1d: {  	s5 =	simm.s32 @p1 $0x1;
	p0 =	seq.s32 s7, s2  }
0x1e: {  	s7 =	smul.u32 @!p0 $0xF7A, s2;
	p2 =	seq.s32 @!p0 s5, $0x0  }
0x1f: {  	s9 =	smul.u32 $0xF7A, s1;
	s8 =	simm.s32 @!p0 $0x1BF5;
	p2 =	por !p2, p0  }
0x20: {  	[sflag:s8] =	ssyncset.s32 @!p0 $0xFFFFF086;
	s6 =	sadd.s32 @!p0 s3, s7;
	s7 =	simm.s32 @!p0 $0x108  }
0x21: {  	s3 =	sadd.s32 s3, s9;
	s6 =	sadd.s32 @!p0 $0x88, s6;
	s7 =	simm.s32 @p2 $0x1082  }
0x22: {  	[simem:s7], [sflag:s8] =	dma.local @!p0 [hbm:s6], $0xF7A  }
0x23: {  	s9 =	sor.u32 $0xD0000000, s2;
	s6 =	simm.s32 $0x108;
	_ =	swait.ge @!p0 [sflag:s8], $0x0  }
0x24: {  	s3 =	sadd.s32 $0x88, s3;
	s6 =	simm.s32 @!p1 $0x1082;
	[sflag:s4] =	ssyncset.s32 $0xFFFFF086  }
0x25: {  	[simem:s6], [sflag:s4] =	dma.local [hbm:s3], $0xF7A  }
0x26: {  	[smem:$0x3F9F] =	sst s1;
	(tag) =	ssettag s2;
	_ =	strace s9  }
0x27: {  	s1 =	sld [smem:$0x3FAF]  }
0x28: {  	s2 =	sld [smem:$0x3FB0]  }
0x29: {  	s4 =	sld [smem:$0x3FB2]  }
0x2a: {  	p0 =	seq.s32 s5, $0x0;
	s5 =	sld [smem:$0x3FB3]  }
0x2b: {  	s6 =	sld [smem:$0x3FB4]  }
0x2c: {  	s7 =	sld [smem:$0x3FB5]  }
0x2d: {  	s3 =	simm.s32 $0x108;
	s8 =	sld [smem:$0x3FB6]  }
0x2e: {  	s3 =	simm.s32 @!p0 $0x1082;
	s9 =	sld [smem:$0x3FB7]  }
0x2f: {  	lr =	sadd.s32 s0, s3;
	s0 =	sld [smem:$0x3FAE]  }
0x30: {  	s3 =	sld [smem:$0x3FB1]  }
0x31: {  	[smem:$0x3FBA] =	sst s10  }
0x32: {  	s10 =	sld [smem:$0x3FB8];
	_ =	sdelay $0x3  }
0x33: {  	p0 =	seq.s32 s10, $0x1;
	s10 =	sld [smem:$0x3FBA];
	_ =	sdelay $0x3  }
0x34: {  	[smem:$0x3FBA] =	sst s10  }
0x35: {  	s10 =	sld [smem:$0x3FB9];
	_ =	sdelay $0x3  }
0x36: {  	p1 =	seq.s32 s10, $0x1;
	s10 =	sld [smem:$0x3FBA];
	_ =	sdelay $0x3  }
0x37: {  	[smem:$0x3FBA] =	sst s10  }
0x38: {  	s10 =	sld [smem:$0x3FBB]  }
0x39: {  	_ = 	snop;
	(pc) =	sbr.ind lr, $3  }
0x3a: {  	_ = 	snop  }
0x3b: {  	_ = 	snop  }
0x3c: {  	p2 =	seq.s32 s10, $0x1;
	s10 =	sld [smem:$0x3FBA]  }
0x3d: {  	_ =	shalt  }
0x3e: {  	_ =	shalt  }
0x3f: {  	_ =	shalt  }
0x40: {  	_ =	shalt  }
0x41: {  	_ =	shalt  }
0x42: {  	_ =	shalt  }
0x43: {  	_ =	shalt  }
0x44: {  	_ =	shalt  }
0x45: {  	_ =	shalt  }
0x46: {  	_ =	shalt  }
0x47: {  	_ =	shalt  }
0x48: {  	_ =	shalt  }
0x49: {  	_ =	shalt  }
0x4a: {  	_ =	shalt  }
0x4b: {  	_ =	shalt  }
0x4c: {  	_ =	shalt  }
0x4d: {  	_ =	shalt  }
0x4e: {  	_ =	shalt  }
0x4f: {  	_ =	shalt  }
0x50: {  	_ =	shalt  }
0x51: {  	_ =	shalt  }
0x52: {  	_ =	shalt  }
0x53: {  	_ =	shalt  }
0x54: {  	_ =	shalt  }
0x55: {  	_ =	shalt  }
0x56: {  	_ =	shalt  }
0x57: {  	_ =	shalt  }
0x58: {  	_ =	shalt  }
0x59: {  	_ =	shalt  }
0x5a: {  	_ =	shalt  }
0x5b: {  	_ =	shalt  }
0x5c: {  	_ =	shalt  }
0x5d: {  	_ =	shalt  }
0x5e: {  	_ =	shalt  }
0x5f: {  	_ =	shalt  }
0x60: {  	_ =	shalt  }
0x61: {  	_ =	shalt  }
0x62: {  	_ =	shalt  }
0x63: {  	_ =	shalt  }
0x64: {  	_ =	shalt  }
0x65: {  	_ =	shalt  }
0x66: {  	_ =	shalt  }
0x67: {  	_ =	shalt  }
0x68: {  	_ =	shalt  }
0x69: {  	_ =	shalt  }
0x6a: {  	_ =	shalt  }
0x6b: {  	_ =	shalt  }
0x6c: {  	_ =	shalt  }
0x6d: {  	_ =	shalt  }
0x6e: {  	_ =	shalt  }
0x6f: {  	_ =	shalt  }
0x70: {  	_ =	shalt  }
0x71: {  	_ =	shalt  }
0x72: {  	_ =	shalt  }
0x73: {  	_ =	shalt  }
0x74: {  	_ =	shalt  }
0x75: {  	_ =	shalt  }
0x76: {  	_ =	shalt  }
0x77: {  	_ =	shalt  }
0x78: {  	_ =	shalt  }
0x79: {  	_ =	shalt  }
0x7a: {  	_ =	shalt  }
0x7b: {  	_ =	shalt  }
0x7c: {  	_ =	shalt  }
0x7d: {  	_ =	shalt  }
0x7e: {  	_ =	shalt  }
0x7f: {  	_ =	shalt  }
0x80: {  	_ =	shalt  }
0x81: {  	_ =	shalt  }
0x82: {  	_ =	shalt  }
0x83: {  	_ =	shalt  }
0x84: {  	_ =	shalt  }
0x85: {  	_ =	shalt  }
0x86: {  	_ =	shalt  }
0x87: {  	_ =	shalt  }
.Lfunc_end0:
.L_simem_size_0:
called_computation_lowered:
.L_overlay_start_0:
0x88: {  	s2 =	sld [smem:$0x3FD9]  }
0x89: {  	s3 =	sld [smem:$0x3FFE];
	_ =	sdelay $0x1  }
0x8a: {  	s1 =	srdreg.scid  }
0x8b: {  	s0 =	sand.u32 $0x1, s1  }
0x8c: {  	s17 =	sshll.u32 s0, $0xA;
	s2 =	sadd.s32 s3, s2  }
0x8d: {  	s2 =	sadd.s32 s2, s17  }
0x8e: {  	[smem:$0x3FC6] =	sst s2  }
0x8f: {  	_ = 	snop  }
0x90: {  	s2 =	sld [smem:$0x3FC8];
	(tm) =	ssettm $0x1  }
0x91: {  	s18 =	sld [smem:$0x3FFB];
	_ =	sdelay $0x3  }
0x92: {  	_ =	strace s18  }
0x93: {  	s3 =	sld [smem:$0x3FFC];
	_ =	sdelay $0x3  }
0x94: {  	_ =	strace s3  }
0x95: {  	s3 =	sld [smem:$0x3FFD];
	_ =	sdelay $0x3  }
0x96: {  	_ =	strace s3  }
0x97: {  	_ =	strace $0x8FFFFFFF  }
0x98: {  	s19 =	sld [smem:$0x3FDB];
	_ =	sdelay $0x1  }
0x99: {  	s4 =	simm.s32 $_scs_section_size  }
0x9a: {  	s5 =	simm.s32 $_size__tile_overlayer_lowered;
	s6 =	simm.s32 $_tile_overlayer_lowered  }
0x9b: {  	s22 =	simm.s32 $0x1BFF;
	s21 =	sshll.u32 s6, $0x1;
	s3 =	sadd.s32 s4, s19  }
0x9c: {  	s7 =	simm.s32 $0x0;
	s20 =	sshll.u32 s5, $0x1;
	s5 =	sadd.s32 s21, s3  }
0x9d: {  	[timem:s7], [sflag:s22] =	dma.local [hbm:s5], s20  }
0x9e: {  	_ =	swait.ge [sflag:s22], s20  }
0x9f: {  	s4 =	ssub.s32 $0x0, s20;
	[sflag:s22] =	ssyncset.done $0x0  }
0xa0: {  	[sflag:s22] =	ssyncadd.s32 s4;
	_ =	sdelay $0x1  }
0xa1: {  	s23 =	simm.s32 $0x1B8B  }
0xa2: {  	_ =	swait.ge [sflag:s23], $0x1  }
0xa3: {  	[sflag:s23] =	ssyncset.done $0x0  }
0xa4: {  	s25 =	simm.s32 $0x1B8E;
	s24 =	sld [smem:$0x3FFE];
	[sflag:s23] =	ssyncadd.s32 $0xFFFFFFFF  }
0xa5: {  	s26 =	simm.s32 $execute0_lowered;
	[smem:$0x3FD2] =	sst s25  }
0xa6: {  	s5 =	sshll.u32 s26, $0x1;
	_ =	strace $0x80000046;
	[dreg:$0x1] =	wrdreg $0xFFFFFFFF  }
0xa7: {  	s28 =	simm.s32 $_size_execute0_lowered;
	s3 =	sadd.s32 s3, s5;
	[dreg:$0x0] =	wrdreg $0x0  }
0xa8: {  	s5 =	sshll.u32 s28, $0x1;
	[dreg:$0x2] =	wrdreg s3  }
0xa9: {  	[dreg:$0x3] =	wrdreg s5  }
0xaa: {  	[dreg:$0x4] =	wrdreg $0xC0  }
0xab: {  	_ =	task [dreg:s7], $0x5FFFF  }
0xac: {  	[dreg:$0x1] =	wrdreg $0xFFFFFFFF  }
0xad: {  	[dreg:$0x0] =	wrdreg $0x60  }
0xae: {  	[dreg:$0x2] =	wrdreg s2  }
0xaf: {  	[dreg:$0x3] =	wrdreg s24  }
0xb0: {  	[dreg:$0x4] =	wrdreg $0x9  }
0xb1: {  	_ =	task.clear_ibuf [dreg:s7], $0x5FFFF;
	_ =	strace $0x90000046  }
0xb2: {  	s29 =	simm.s32 $0x9;
	_ =	strace $0x80000048  }
0xb3: {  	_ =	swait.ge [sflag:s29], $0x1  }
0xb4: {  	[sflag:s29] =	ssyncadd.s32 $0xFFFFFFFF  }
0xb5: {  	_ =	strace $0x90000048  }
0xb6: {  	_ =	sfence  }
0xb7: {  	s30 =	sld [smem:$0x0];
	_ =	sdelay $0x2  }
0xb8: {  	s31 =	sshll.u32 s1, $0xD;
	s1 =	sshrl.u32 s1, $0x2  }
0xb9: {  	s3 =	sand.u32 $0x4000, s31;
	s1 =	sadd.s32 s1, s30  }
0xba: {  	s0 =	sor.u32 s3, s0;
	s1 =	sshll.u32 s1, $0x11  }
0xbb: {  	s0 =	sor.u32 s1, s0  }
0xbc: {  	s0 =	sadd.s32 $0x8F2B, s0  }
0xbd: {  	[sflag:s0] =	ssyncadd.remote.s32 $0x1  }
0xbe: {  	_ =	sfence.sel $0xFFFF  }
0xbf: {  	[dreg:$0x0] =	wrdreg $0xFFFFFFFF;
	(pc) =	sbr.abs _section_cstart, $3  }
0xc0: {  	[dreg:$0x1] =	wrdreg $0xFFFFFFFF  }
0xc1: {  	_ =	task.clear_ibuf [dreg:s7], $0x2FFFF;
	_ =	strace $0x9FFFFFFF  }
0xc2: {  	(tm) =	ssettm $0x7FFFFFFF  }
0xc3: {  	_ =	shalt  }
tec
execute0_lowered:
.L_overlay_start_1:
0x0: {  	(tag) =	ssettag $0x1  }
0x1: {  	s2 =	srdreg.scid  }
0x2: {  	v0 =	vimm.s32 $0x76543210;
	s1 =	rddreg [dreg:$0x0];
	s0 =	stileid.u32;
	s4 =	sand.u32 $0x1, s2  }
0x3: {  	v1 =	vimm.s32 $0xF5F6F7F8;
	v2 =	vimm.s32 $0xF1F2F3F4;
	s5 =	rddreg [dreg:$0x1];
	v0 =	vunpack.c.l.s4.s8 v0;
	s6 =	sshll.u32 s0, $0x4;
	s7 =	sshll.u32 s4, $0x3  }
0x4: {  	s3 =	simm.s32 $0x0;
	s10 =	simm.s32 $0x0;
	v1 =	vunpack.c.0.s8.s32 v1;
	v2 =	vunpack.c.0.s8.s32 v2;
	s6 =	sor.u32 s7, s6  }
0x5: {  	vm0 =	vcmask $0x1F10;
	[smem:$0x7FF] =	sst s3;
	s30 =	ssub.s32 $0x2, s4;
	v0 =	vunpack.c.0.s8.s32 v0;
	s31 =	ssub.s32 $0x107, s6  }
0x6: {  	s2 =	rddreg [dreg:$0x2];
	_ =	strace $0x80000047;
	v1 =	vsel vm0, v2, v1;
	s9 =	sshrl.u32 s30, $0x1;
	vm0 =	vmmov $0xff;
	v2 =	vmov s31  }
0x7: {  	s4 =	sadd.s32 $0x3600, s5;
	s8 =	sshll.u32 s6, $0x7;
	s7 =	ssub.s32 s30, s9;
	v0 =	vcombine.low v0, v1;
	v1 =	vsel vm0, s6, v2;
	v2 =	vlaneseq.u32  }
0x8: {  	s9 =	simm.s32 $0x180;
	s5 =	sadd.s32 s8, s5;
	s8 =	simm.s32 $0x100;
	vm0 =	vcmask $0x3F20;
	v2 =	vand.u32 $0x7, v2  }
0x9: {  	s5 =	sadd.s32 $0x3800, s5;
	s6 =	smax.u32 s7, $0x1;
	s7 =	simm.s32 $0x1;
	v0 =	vadd.s32 v0, v1;
	v1 =	vimm.f32 $0.0e+00;
	v2 =	vmul.u32 $0x80, v2  }
.LBB2_1:
0xa: {  	[tilespmem:s3], [sflag:$0x1] =	stream.linear.gather [hbm4b:s1+s3], $0x100, $0x38;
	[tilespmem:$0x2180] =	vst v63  }
0xb: {  	_ =	swait.ge [sflag:s7], $0x100  }
0xc: {  	[sflag:s7] =	ssyncset.done $0x0  }
0xd: {  	[sflag:s7] =	ssyncadd.s32 $0xFFFFFF00  }
0xe: {  	[tilespmem:s8], [sflag:$0x1] =	stream.linear.gather [hbm4b:s4+s3], $0x80, $0x38;
	[tilespmem:$0x2180] =	vst v63  }
0xf: {  	_ =	swait.ge [sflag:s7], $0x80  }
0x10: {  	s11 =	sand.u32 $0x70, s3;
	s12 =	sand.u32 $0x1C00, s3;
	[sflag:s7] =	ssyncset.done $0x0  }
0x11: {  	s11 =	sor.u32 s11, s12;
	[sflag:s7] =	ssyncadd.s32 $0xFFFFFF80  }
0x12: {  	s13 =	simm.s32 $0x0;
	s12 =	simm.s32 $0x10;
	v3 =	vld [tilespmem:$0x100];
	[tilespmem:s11+$0x180] =	vst v1  }
.LBB2_2:
0x13: {  	p0 =	sne.s32 s12, $0x3E0  }
.Ltmp0:
0x14: {  	_ = 	snop;
	(pc) =	sbr.rel @p0 .LBB2_2-.Ltmp0, $4  }
0x15: {  	s13 =	sadd.s32 $0x80, s13  }
0x16: {  	s11 =	sand.u32 $0x70, s12;
	s14 =	sand.u32 $0x1C00, s13  }
0x17: {  	s11 =	sor.u32 s11, s14  }
0x18: {  	s12 =	sadd.s32 $0x10, s12;
	[tilespmem:s11+$0x180] =	vst v1;
	s11 =	simm.s32 $0x0  }
0x19: {  	s12 =	sand.u32 $0x70, s11;
	s13 =	sand.u32 $0x1C00, s11  }
0x1a: {  	s12 =	sor.u32 s12, s13  }
0x1b: {  	s14 =	simm.s32 $0x0;
	s13 =	simm.s32 $0x10;
	[tilespmem:s12+$0x200] =	vst v1  }
.LBB2_4:
0x1c: {  	p0 =	sne.s32 s13, $0x3E0  }
.Ltmp1:
0x1d: {  	_ = 	snop;
	(pc) =	sbr.rel @p0 .LBB2_4-.Ltmp1, $4  }
0x1e: {  	s14 =	sadd.s32 $0x80, s14  }
0x1f: {  	s15 =	sand.u32 $0x70, s13;
	s16 =	sand.u32 $0x1C00, s14  }
0x20: {  	s15 =	sor.u32 s15, s16  }
0x21: {  	s13 =	sadd.s32 $0x10, s13;
	[tilespmem:s15+$0x200] =	vst v1  }
0x22: {  	s13 =	simm.s32 $0x10;
	[tilespmem:s12+$0x280] =	vst v1  }
.LBB2_6:
0x23: {  	p0 =	sne.s32 s13, $0x3E0  }
.Ltmp2:
0x24: {  	_ = 	snop;
	(pc) =	sbr.rel @p0 .LBB2_6-.Ltmp2, $4  }
0x25: {  	s11 =	sadd.s32 $0x80, s11  }
0x26: {  	s12 =	sand.u32 $0x70, s13;
	s14 =	sand.u32 $0x1C00, s11  }
0x27: {  	s12 =	sor.u32 s12, s14  }
0x28: {  	s13 =	sadd.s32 $0x10, s13;
	[tilespmem:s12+$0x280] =	vst v1;
	s12 =	simm.s32 $0x0  }
0x29: {  	s11 =	sand.u32 $0x70, s12;
	s13 =	sand.u32 $0x1C00, s12  }
0x2a: {  	s11 =	sor.u32 s11, s13  }
0x2b: {  	s14 =	simm.s32 $0x0;
	s13 =	simm.s32 $0x10;
	[tilespmem:s11+$0x300] =	vst v1  }
.LBB2_8:
0x2c: {  	p0 =	sne.s32 s13, $0x3E0  }
.Ltmp3:
0x2d: {  	_ = 	snop;
	(pc) =	sbr.rel @p0 .LBB2_8-.Ltmp3, $4  }
0x2e: {  	s14 =	sadd.s32 $0x80, s14  }
0x2f: {  	s15 =	sand.u32 $0x70, s13;
	s16 =	sand.u32 $0x1C00, s14  }
0x30: {  	s15 =	sor.u32 s15, s16  }
0x31: {  	s13 =	sadd.s32 $0x10, s13;
	[tilespmem:s15+$0x300] =	vst v1  }
0x32: {  	s13 =	simm.s32 $0x10;
	[tilespmem:s11+$0x380] =	vst v1  }
.LBB2_10:
0x33: {  	p0 =	sne.s32 s13, $0x3E0  }
.Ltmp4:
0x34: {  	_ = 	snop;
	(pc) =	sbr.rel @p0 .LBB2_10-.Ltmp4, $4  }
0x35: {  	s12 =	sadd.s32 $0x80, s12  }
0x36: {  	s11 =	sand.u32 $0x70, s13;
	s14 =	sand.u32 $0x1C00, s12  }
0x37: {  	s11 =	sor.u32 s11, s14  }
0x38: {  	s13 =	sadd.s32 $0x10, s13;
	[tilespmem:s11+$0x380] =	vst v1;
	s11 =	simm.s32 $0x0  }
0x39: {  	s12 =	sand.u32 $0x70, s11;
	s13 =	sand.u32 $0x1C00, s11  }
0x3a: {  	s13 =	sor.u32 s12, s13  }
0x3b: {  	s12 =	simm.s32 $0x10;
	[tilespmem:s13+$0x400] =	vst v1;
	s13 =	simm.s32 $0x0  }
.LBB2_12:
0x3c: {  	p0 =	sne.s32 s12, $0x3E0  }
.Ltmp5:
0x3d: {  	_ = 	snop;
	(pc) =	sbr.rel @p0 .LBB2_12-.Ltmp5, $4  }
0x3e: {  	s13 =	sadd.s32 $0x80, s13  }
0x3f: {  	s14 =	sand.u32 $0x70, s12;
	s15 =	sand.u32 $0x1C00, s13  }
0x40: {  	s14 =	sor.u32 s14, s15  }
0x41: {  	s12 =	sadd.s32 $0x10, s12;
	[tilespmem:s14+$0x400] =	vst v1  }
0x42: {  	s12 =	simm.s32 $0x0  }
.LBB2_14:
0x43: {  	p0 =	sne.s32 s12, $0x3E0  }
.Ltmp6:
0x44: {  	_ = 	snop;
	(pc) =	sbr.rel @p0 .LBB2_14-.Ltmp6, $4  }
0x45: {  	_ = 	snop  }
0x46: {  	s13 =	sand.u32 $0x70, s12;
	s14 =	sand.u32 $0x1C00, s11  }
0x47: {  	s13 =	sor.u32 s13, s14  }
0x48: {  	s11 =	sadd.s32 $0x80, s11;
	s12 =	sadd.s32 $0x10, s12;
	[tilespmem:s13+$0x480] =	vst v1  }
0x49: {  	s11 =	simm.s32 $0x0  }
0x4a: {  	s12 =	sand.u32 $0x70, s11;
	s13 =	sand.u32 $0x1C00, s11  }
0x4b: {  	s13 =	sor.u32 s12, s13  }
0x4c: {  	s12 =	simm.s32 $0x10;
	[tilespmem:s13+$0x500] =	vst v1  }
.LBB2_16:
0x4d: {  	p0 =	sne.s32 s12, $0x3E0  }
.Ltmp7:
0x4e: {  	_ = 	snop;
	(pc) =	sbr.rel @p0 .LBB2_16-.Ltmp7, $4  }
0x4f: {  	s11 =	sadd.s32 $0x80, s11  }
0x50: {  	s13 =	sand.u32 $0x70, s12;
	s14 =	sand.u32 $0x1C00, s11  }
0x51: {  	s13 =	sor.u32 s13, s14  }
0x52: {  	s12 =	sadd.s32 $0x10, s12;
	[tilespmem:s13+$0x500] =	vst v1  }
0x53: {  	_ =	sdelay $0x3  }
0x54: {  	v4 =	vld.idx.msk [tilespmem:v0+s3+$0x0], $0xffff;
	_ =	sdelay $0x4  }
0x55: {  	v5 =	vshll.u32 v4, $0x3  }
0x56: {  	v4 =	vand.u32 $0x7F, v4;
	v5 =	vand.u32 $0xFFFFFC00, v5  }
0x57: {  	v4 =	vor.u32 v5, v4  }
0x58: {  	v4 =	vor.u32 v2, v4;
	_ =	sdelay $0x3  }
0x59: {  	v63 =	vsub.f32 $1.000000000e+00, v3;
	s10 =	sadd.s32 $0x1, s10  }
0x5a: {  	p0 =	sne.s32 s10, s6;
	[tilespmem:v4+s9+$0x0] =	vst.idx.msk $0xff, v3  }
.Ltmp8:
0x5b: {  	[tilespmem:v4+s9+$0x0] =	vst.idx.add.f32.msk vm0, v63;
	(pc) =	sbr.rel @p0 .LBB2_1-.Ltmp8, $4  }
0x5c: {  	[hbm4b:s5+s3] =	stream.linear.scatter [tilespmem:s9], [sflag:$0x1], $0x2000, $0x38;
	[tilespmem:$0x2180] =	vst v63  }
0x5d: {  	_ =	swait.ge [sflag:s7], $0x2000  }
0x5e: {  	[sflag:s7] =	ssyncset.done $0x0  }
0x5f: {  	[sflag:s7] =	ssyncadd.s32 $0xFFFFE000  }
0x60: {  	_ =	sfence.sel $0x180000  }
0x61: {  	[bflag:$0x0] =	sbarrier.arrive $0xFFFF  }
0x62: {  	p0 =	sne.s32 s0, $0x0;
	_ =	strace $0x90000047  }
0x63: {  	s0 =	sadd.s32 @!p0 $0x100000, s2;
	[bflag:$0x2] =	sbarrier.arrive $0xFFFF  }
0x64: {  	[sflag:s0] =	ssyncadd.tile.s32 @!p0 $0x1;
	_ =	shalt  }
.Lfunc_end2:
_tile_overlayer_lowered:
.L_overlay_start_2:
0x65: {  	(tag) =	ssettag $0x2  }
0x66: {  	s0 =	rddreg [dreg:$0x0];
	s2 =	stileid.u32  }
0x67: {  	s1 =	rddreg [dreg:$0x1];
	p0 =	sne.s32 s2, $0x0  }
0x68: {  	s3 =	rddreg [dreg:$0x2];
	[bflag:$0x3] =	sbarrier.arrive $0xFFFF;
	s2 =	simm.s32 @!p0 $0x1C01  }
0x69: {  	[timem:s3], [sflag:s2] =	dma.local @!p0 [hbm:s0], s1  }
0x6a: {  	s0 =	simm.s32 @!p0 $0x1  }
0x6b: {  	_ =	swait.ge @!p0 [sflag:s0], s1  }
0x6c: {  	s1 =	ssub.s32 @!p0 $0x0, s1;
	[sflag:s0] =	ssyncset.done @!p0 $0x0  }
0x6d: {  	[sflag:s0] =	ssyncadd.s32 @!p0 s1  }
0x6e: {  	[bflag:$0x3] =	sbarrier.arrive $0xFFFF  }
0x6f: {  	_ =	shalt  }

</sc_bundles>
